<compile_context>
chip_gen: v7x
topology: tpu7x:2x2x1
jax: 0.10.2.dev20260603
libtpu: 0.0.44.dev20260713+nightly
codegen_flags: <defaults>
</compile_context>

<pallas_src>
import functools

import jax
import jax.numpy as jnp
from jax import lax
from jax.experimental import pallas as pl
from jax.experimental.pallas import tpu as pltpu
from jax.experimental.pallas import tpu_sc as plsc

NUM_CODEBOOKS = 8
CODEBOOK_SIZE = 512
CODE_DIM = 64
BATCH = 1024
_PAIRS = NUM_CODEBOOKS // 2
_NW = 32
_EIGHTHS = _NW // _PAIRS
_BE = BATCH // _EIGHTHS


def _vq_tc_kernel(z_ref, cb_ref, idx_ref, gidx_ref, counts_ref, scal_ref,
                  commit_smem):
    j = pl.program_id(0)
    z2 = z_ref[...]

    @pl.when(j == 0)
    def _init():
        counts_ref[...] = jnp.zeros_like(counts_ref)
        commit_smem[0] = 0.0

    kf = jax.lax.broadcasted_iota(
        jnp.int32, (BATCH, CODEBOOK_SIZE), 1).astype(jnp.float32)
    lane_g = jax.lax.broadcasted_iota(jnp.int32, (BATCH, NUM_CODEBOOKS), 1)

    gidx_rows = []
    cnt_total = None
    csum = jnp.sum(z2 * z2)
    for h in range(2):
        zg = z2[:, h * CODE_DIM:(h + 1) * CODE_DIM]
        c = cb_ref[h]
        c_sq = jnp.sum(c * c, axis=1, keepdims=True)
        cross = jax.lax.dot_general(
            zg, c, (((1,), (1,)), ((), ())),
            preferred_element_type=jnp.float32)
        d = jnp.transpose(c_sq) - 2.0 * cross
        dmin = jnp.min(d, axis=1, keepdims=True)
        idx_f = jnp.min(jnp.where(d <= dmin, kf, float(CODEBOOK_SIZE)),
                        axis=1, keepdims=True)
        one_hot = (kf == idx_f).astype(jnp.float32)

        cnt = jnp.sum(one_hot, axis=0, keepdims=True)
        cnt_total = cnt if cnt_total is None else cnt_total + cnt
        csum = csum + jnp.sum(dmin)
        idx_col = idx_f.astype(jnp.int32)
        idx_ref[...] = jnp.where(lane_g == 2 * j + h, idx_col, idx_ref[...])
        gidx_rows.append(
            jnp.transpose(idx_col + (2 * j + h) * CODEBOOK_SIZE))

    gidx_ref[0] = jnp.concatenate(gidx_rows, axis=0)
    counts_ref[...] += cnt_total
    commit_smem[0] += csum

    @pl.when(j == _PAIRS - 1)
    def _finish():
        usage = counts_ref[...] / float(BATCH * NUM_CODEBOOKS)
        ent = -jnp.sum(usage * jnp.log(usage + 1e-10))
        commit = commit_smem[0] / float(BATCH * NUM_CODEBOOKS * CODE_DIM)
        lane = jax.lax.broadcasted_iota(jnp.int32, (1, 128), 1)
        out = jnp.where(lane == 0, commit,
                        jnp.where(lane == 1, ent, jnp.exp(ent)))
        scal_ref[...] = out


_SC_MESH = plsc.VectorSubcoreMesh(core_axis_name="c", subcore_axis_name="s")


_QUARTERS = _NW // NUM_CODEBOOKS
_BQ = BATCH // _QUARTERS


@functools.partial(
    pl.kernel,
    mesh=_SC_MESH,
    out_type=jax.ShapeDtypeStruct((BATCH, NUM_CODEBOOKS * CODE_DIM),
                                  jnp.float32),
    scratch_types=[
        pltpu.VMEM((_BQ,), jnp.int32),
        pltpu.VMEM((_BQ, CODE_DIM), jnp.float32),
        pltpu.SemaphoreType.DMA,
    ],
    compiler_params=pltpu.CompilerParams(use_tc_tiling_on_sc=False),
)
def _sc_gather_kernel(cb_hbm, gidx_hbm, out_hbm, idx_v, rows_v, sem):
    wid = lax.axis_index("s") * 2 + lax.axis_index("c")
    g = wid // _QUARTERS
    q = wid % _QUARTERS
    pltpu.sync_copy(gidx_hbm.at[g // 2, g % 2, pl.ds(q * _BQ, _BQ)], idx_v)
    pltpu.async_copy(cb_hbm.at[idx_v], rows_v, sem).wait()
    pltpu.sync_copy(
        rows_v,
        out_hbm.at[pl.ds(q * _BQ, _BQ),
                   pl.ds(g * CODE_DIM, CODE_DIM)])


@jax.jit
def kernel(z, codebook):
    grid = (_PAIRS,)
    out_shapes = (
        jax.ShapeDtypeStruct((BATCH, NUM_CODEBOOKS), jnp.int32),
        jax.ShapeDtypeStruct((_PAIRS, 2, BATCH), jnp.int32),
        jax.ShapeDtypeStruct((1, CODEBOOK_SIZE), jnp.float32),
        jax.ShapeDtypeStruct((1, 128), jnp.float32),
    )
    indices, gidx, _counts, scal = pl.pallas_call(
        _vq_tc_kernel,
        grid=grid,
        in_specs=[
            pl.BlockSpec((BATCH, 2 * CODE_DIM), lambda j: (0, j)),
            pl.BlockSpec((2, CODEBOOK_SIZE, CODE_DIM), lambda j: (j, 0, 0)),
        ],
        out_specs=(
            pl.BlockSpec((BATCH, NUM_CODEBOOKS), lambda j: (0, 0)),
            pl.BlockSpec((1, 2, BATCH), lambda j: (j, 0, 0)),
            pl.BlockSpec((1, CODEBOOK_SIZE), lambda j: (0, 0)),
            pl.BlockSpec((1, 128), lambda j: (0, 0)),
        ),
        out_shape=out_shapes,
        scratch_shapes=[pltpu.SMEM((1,), jnp.float32)],
    )(z, codebook)

    cb_flat = codebook.reshape(NUM_CODEBOOKS * CODEBOOK_SIZE, CODE_DIM)
    quantized = _sc_gather_kernel(cb_flat, gidx)

    commitment_loss = scal[0, 0]
    codebook_loss = jnp.zeros((), dtype=jnp.float32)
    entropy = scal[0, 1]
    perplexity = scal[0, 2]
    return (quantized, indices, commitment_loss, codebook_loss,
            entropy, perplexity)

# --- scband reference (transcript-rebuilt; emitter-appended) ---
"""Pipeline reference for scband-grouped-vector-quantizer-83133386981669 (READ-ONLY COPY).

The authoritative reference and input builder live on the scoring server;
editing this copy changes nothing except your own understanding.
"""

import jax, jax.numpy as jnp
import numpy as np

NUM_CODEBOOKS = 8
CODEBOOK_SIZE = 512
CODE_DIM = 64
BATCH = 1024
INIT_SCALE = 0.1


def setup_inputs(seed: int = 0) -> dict:
    key = jax.random.key(seed)
    k1, k2 = jax.random.split(key)
    z = jax.random.normal(k1, (BATCH, NUM_CODEBOOKS * CODE_DIM), dtype=jnp.float32)
    codebook = jax.random.uniform(
        k2, (NUM_CODEBOOKS, CODEBOOK_SIZE, CODE_DIM),
        minval=-INIT_SCALE, maxval=INIT_SCALE, dtype=jnp.float32)
    return {"z": z, "codebook": codebook}


def reference(z, codebook):
    B = z.shape[0]
    z_groups = z.reshape(B, NUM_CODEBOOKS, CODE_DIM)
    # squared L2 distances per group: ||z||^2 - 2 z.c + ||c||^2 (mathematically
    # identical to (z-c)^2 sum, avoids materializing [B,G,K,D])
    z_sq = jnp.sum(z_groups * z_groups, axis=-1)  # [B, G]
    c_sq = jnp.sum(codebook * codebook, axis=-1)  # [G, K]
    cross = jnp.einsum('bgd,gkd->bgk', z_groups, codebook)  # [B, G, K]
    distances = z_sq[:, :, None] - 2.0 * cross + c_sq[None, :, :]
    indices = jnp.argmin(distances, axis=-1)  # [B, G]
    group_idx = jnp.broadcast_to(jnp.arange(NUM_CODEBOOKS)[None, :], indices.shape)
    z_q_groups = codebook[group_idx, indices]  # [B, G, D]
    commitment_loss = jnp.mean((z_groups - jax.lax.stop_gradient(z_q_groups)) ** 2)
    codebook_loss = jnp.zeros((), dtype=jnp.float32)
    z_st_groups = z_groups + jax.lax.stop_gradient(z_q_groups - z_groups)
    one_hot = jax.nn.one_hot(indices, CODEBOOK_SIZE, dtype=jnp.float32)  # [B, G, K]
    usage = one_hot.mean(axis=(0, 1))  # [K]
    entropy = -jnp.sum(usage * jnp.log(usage + 1e-10))
    perplexity = jnp.exp(entropy)
    quantized_flat = z_st_groups.reshape(B, NUM_CODEBOOKS * CODE_DIM)
    return (quantized_flat, indices, commitment_loss, codebook_loss, entropy, perplexity)

if __name__ == "__main__":
    import jax
    _d = setup_inputs()
    print(jax.jit(kernel)(*tuple(_d.values())))

</pallas_src>

<mosaic_0001>
#map = affine_map<(d0, d1) -> (0, 0)>
#map1 = affine_map<(d0, d1) -> (0, 0, 0)>
module attributes {stable_mosaic.version = 14 : i64} {
  func.func @_sc_gather_kernel(%arg0: i32, %arg1: i32, %arg2: memref<4096x64xf32, #tpu.memory_space<hbm>>, %arg3: memref<4x2x1024xi32, #tpu.memory_space<hbm>>, %arg4: memref<1024x512xf32, #tpu.memory_space<hbm>>, %arg5: memref<256xi32, #tpu.memory_space<vmem>>, %arg6: memref<256x64xf32, #tpu.memory_space<vmem>>, %arg7: memref<!tpu.dma_semaphore, #tpu.memory_space<semaphore_mem>>) attributes {dimension_semantics = [#tpu.dimension_semantics<core_parallel>, #tpu.dimension_semantics<subcore_parallel>], iteration_bounds = array<i64: 2, 16>, scalar_prefetch = 0 : i64, scratch_operands = 3 : i64, tpu.core_type = #tpu.core_type<sc_vector_subcore>, window_params = [{transform_indices = #map}, {transform_indices = #map1}, {transform_indices = #map}]} {
    %mul3A = arith.constant 2 : i32
    %mul3A_0 = arith.muli %arg1, %mul3A : i32
    %add3A = arith.addi %mul3A_0, %arg0 : i32
    %jit3A = arith.constant 4 : i32
    %div3A = arith.divsi %add3A, %jit3A : i32
    %sign3A = arith.constant 0 : i32
    %sign3A_1 = arith.cmpi sgt, %add3A, %sign3A : i32
    %sign3A_2 = arith.extui %sign3A_1 : i1 to i32
    %sign3A_3 = arith.constant 0 : i32
    %sign3A_4 = arith.cmpi slt, %add3A, %sign3A_3 : i32
    %sign3A_5 = arith.extui %sign3A_4 : i1 to i32
    %sign3A_6 = arith.subi %sign3A_2, %sign3A_5 : i32
    %sign3A_7 = arith.constant 0 : i32
    %sign3A_8 = arith.cmpi sgt, %jit3A, %sign3A_7 : i32
    %sign3A_9 = arith.extui %sign3A_8 : i1 to i32
    %sign3A_10 = arith.constant 0 : i32
    %sign3A_11 = arith.cmpi slt, %jit3A, %sign3A_10 : i32
    %sign3A_12 = arith.extui %sign3A_11 : i1 to i32
    %sign3A_13 = arith.subi %sign3A_9, %sign3A_12 : i32
    %ne3A = arith.cmpi ne, %sign3A_6, %sign3A_13 : i32
    %rem3A = arith.remsi %add3A, %jit3A : i32
    %ne3A_14 = arith.constant 0 : i32
    %ne3A_15 = arith.cmpi ne, %rem3A, %ne3A_14 : i32
    %and3A = arith.andi %ne3A, %ne3A_15 : i1
    %sub3A = arith.constant 1 : i32
    %sub3A_16 = arith.subi %div3A, %sub3A : i32
    %select_n3A = arith.select %and3A, %sub3A_16, %div3A : i32
    %jit3A_17 = arith.constant 4 : i32
    %eq3A = arith.constant 0 : i32
    %eq3A_18 = arith.cmpi eq, %jit3A_17, %eq3A : i32
    %jit3A_19 = arith.constant 1 : i32
    %select_n3A_20 = arith.select %eq3A_18, %jit3A_19, %jit3A_17 : i32
    %rem3A_21 = arith.remsi %add3A, %select_n3A_20 : i32
    %ne3A_22 = arith.constant 0 : i32
    %ne3A_23 = arith.cmpi ne, %rem3A_21, %ne3A_22 : i32
    %lt3A = arith.constant 0 : i32
    %lt3A_24 = arith.cmpi slt, %rem3A_21, %lt3A : i32
    %lt3A_25 = arith.constant 0 : i32
    %lt3A_26 = arith.cmpi slt, %select_n3A_20, %lt3A_25 : i32
    %ne3A_27 = arith.xori %lt3A_24, %lt3A_26 : i1
    %and3A_28 = arith.andi %ne3A_27, %ne3A_23 : i1
    %add3A_29 = arith.addi %rem3A_21, %select_n3A_20 : i32
    %select_n3A_30 = arith.select %and3A_28, %add3A_29, %rem3A_21 : i32
    %jit3A_31 = arith.constant 2 : i32
    %div3A_32 = arith.divsi %select_n3A, %jit3A_31 : i32
    %sign3A_33 = arith.constant 0 : i32
    %sign3A_34 = arith.cmpi sgt, %select_n3A, %sign3A_33 : i32
    %sign3A_35 = arith.extui %sign3A_34 : i1 to i32
    %sign3A_36 = arith.constant 0 : i32
    %sign3A_37 = arith.cmpi slt, %select_n3A, %sign3A_36 : i32
    %sign3A_38 = arith.extui %sign3A_37 : i1 to i32
    %sign3A_39 = arith.subi %sign3A_35, %sign3A_38 : i32
    %sign3A_40 = arith.constant 0 : i32
    %sign3A_41 = arith.cmpi sgt, %jit3A_31, %sign3A_40 : i32
    %sign3A_42 = arith.extui %sign3A_41 : i1 to i32
    %sign3A_43 = arith.constant 0 : i32
    %sign3A_44 = arith.cmpi slt, %jit3A_31, %sign3A_43 : i32
    %sign3A_45 = arith.extui %sign3A_44 : i1 to i32
    %sign3A_46 = arith.subi %sign3A_42, %sign3A_45 : i32
    %ne3A_47 = arith.cmpi ne, %sign3A_39, %sign3A_46 : i32
    %rem3A_48 = arith.remsi %select_n3A, %jit3A_31 : i32
    %ne3A_49 = arith.constant 0 : i32
    %ne3A_50 = arith.cmpi ne, %rem3A_48, %ne3A_49 : i32
    %and3A_51 = arith.andi %ne3A_47, %ne3A_50 : i1
    %sub3A_52 = arith.constant 1 : i32
    %sub3A_53 = arith.subi %div3A_32, %sub3A_52 : i32
    %select_n3A_54 = arith.select %and3A_51, %sub3A_53, %div3A_32 : i32
    %jit3A_55 = arith.constant 2 : i32
    %eq3A_56 = arith.constant 0 : i32
    %eq3A_57 = arith.cmpi eq, %jit3A_55, %eq3A_56 : i32
    %jit3A_58 = arith.constant 1 : i32
    %select_n3A_59 = arith.select %eq3A_57, %jit3A_58, %jit3A_55 : i32
    %rem3A_60 = arith.remsi %select_n3A, %select_n3A_59 : i32
    %ne3A_61 = arith.constant 0 : i32
    %ne3A_62 = arith.cmpi ne, %rem3A_60, %ne3A_61 : i32
    %lt3A_63 = arith.constant 0 : i32
    %lt3A_64 = arith.cmpi slt, %rem3A_60, %lt3A_63 : i32
    %lt3A_65 = arith.constant 0 : i32
    %lt3A_66 = arith.cmpi slt, %select_n3A_59, %lt3A_65 : i32
    %ne3A_67 = arith.xori %lt3A_64, %lt3A_66 : i1
    %and3A_68 = arith.andi %ne3A_67, %ne3A_62 : i1
    %add3A_69 = arith.addi %rem3A_60, %select_n3A_59 : i32
    %select_n3A_70 = arith.select %and3A_68, %add3A_69, %rem3A_60 : i32
    %mul3A_71 = arith.constant 256 : i32
    %mul3A_72 = arith.muli %select_n3A_30, %mul3A_71 : i32
    "tpu.region"() ({
      %run_scoped3A = tpu.sem_alloc : memref<!tpu.dma_semaphore, #tpu.memory_space<semaphore_mem>>
      %dma_start3A_81 = tpu.memref_slice %arg3[%select_n3A_54, %select_n3A_70, %mul3A_72] : memref<4x2x1024xi32, #tpu.memory_space<hbm>> -> memref<1x1x256xi32, #tpu.memory_space<hbm>>
      %dma_start3A_82 = tpu.memref_squeeze %dma_start3A_81 : memref<1x1x256xi32, #tpu.memory_space<hbm>> -> memref<256xi32, #tpu.memory_space<hbm>>
      %dma_start3A_83 = tpu.memref_slice %arg3[%select_n3A_54, %select_n3A_70, %mul3A_72] : memref<4x2x1024xi32, #tpu.memory_space<hbm>> -> memref<1x1x256xi32, #tpu.memory_space<hbm>>
      %dma_start3A_84 = tpu.memref_squeeze %dma_start3A_83 : memref<1x1x256xi32, #tpu.memory_space<hbm>> -> memref<256xi32, #tpu.memory_space<hbm>>
      tpu.enqueue_dma source(%dma_start3A_84 : memref<256xi32, #tpu.memory_space<hbm>>) target(%arg5 : memref<256xi32, #tpu.memory_space<vmem>>) target_semaphore(%run_scoped3A : memref<!tpu.dma_semaphore, #tpu.memory_space<semaphore_mem>>)
      %dma_wait3A_85 = tpu.memref_slice %arg3[%select_n3A_54, %select_n3A_70, %mul3A_72] : memref<4x2x1024xi32, #tpu.memory_space<hbm>> -> memref<1x1x256xi32, #tpu.memory_space<hbm>>
      %dma_wait3A_86 = tpu.memref_squeeze %dma_wait3A_85 : memref<1x1x256xi32, #tpu.memory_space<hbm>> -> memref<256xi32, #tpu.memory_space<hbm>>
      %dma_wait3A_87 = tpu.memref_slice %arg3[%select_n3A_54, %select_n3A_70, %mul3A_72] : memref<4x2x1024xi32, #tpu.memory_space<hbm>> -> memref<1x1x256xi32, #tpu.memory_space<hbm>>
      %dma_wait3A_88 = tpu.memref_squeeze %dma_wait3A_87 : memref<1x1x256xi32, #tpu.memory_space<hbm>> -> memref<256xi32, #tpu.memory_space<hbm>>
      tpu.wait_dma2 semaphore(%run_scoped3A : memref<!tpu.dma_semaphore, #tpu.memory_space<semaphore_mem>>) src(%dma_wait3A_88 : memref<256xi32, #tpu.memory_space<hbm>>) dst(%arg5 : memref<256xi32, #tpu.memory_space<vmem>>)
      tpu.yield
    }) : () -> ()
    %dma_start3A = arith.constant 0 : i32
    %dma_start3A_73 = arith.constant 0 : i32
    %dma_start3A_74 = tpu.memref_slice %arg2[%dma_start3A, %dma_start3A_73] : memref<4096x64xf32, #tpu.memory_space<hbm>> -> memref<4096x64xf32, #tpu.memory_space<hbm>>
    tpu.enqueue_indirect_dma source(%dma_start3A_74 : memref<4096x64xf32, #tpu.memory_space<hbm>>) target(%arg6 : memref<256x64xf32, #tpu.memory_space<vmem>>) offsets(%arg5 : memref<256xi32, #tpu.memory_space<vmem>>) semaphore(%arg7 : memref<!tpu.dma_semaphore, #tpu.memory_space<semaphore_mem>>)
    %dma_wait3A = arith.constant 0 : i32
    %dma_wait3A_75 = arith.constant 0 : i32
    %dma_wait3A_76 = tpu.memref_slice %arg2[%dma_wait3A, %dma_wait3A_75] : memref<4096x64xf32, #tpu.memory_space<hbm>> -> memref<4096x64xf32, #tpu.memory_space<hbm>>
    tpu.wait_indirect_dma semaphore(%arg7 : memref<!tpu.dma_semaphore, #tpu.memory_space<semaphore_mem>>) src(%dma_wait3A_76 : memref<4096x64xf32, #tpu.memory_space<hbm>>) dst(%arg6 : memref<256x64xf32, #tpu.memory_space<vmem>>)
    %mul3A_77 = arith.constant 256 : i32
    %mul3A_78 = arith.muli %select_n3A_30, %mul3A_77 : i32
    %mul3A_79 = arith.constant 64 : i32
    %mul3A_80 = arith.muli %select_n3A, %mul3A_79 : i32
    "tpu.region"() ({
      %run_scoped3A = tpu.sem_alloc : memref<!tpu.dma_semaphore, #tpu.memory_space<semaphore_mem>>
      %dma_start3A_81 = tpu.memref_slice %arg4[%mul3A_78, %mul3A_80] : memref<1024x512xf32, #tpu.memory_space<hbm>> -> memref<256x64xf32, #tpu.memory_space<hbm>>
      %dma_start3A_82 = tpu.memref_slice %arg4[%mul3A_78, %mul3A_80] : memref<1024x512xf32, #tpu.memory_space<hbm>> -> memref<256x64xf32, #tpu.memory_space<hbm>>
      tpu.enqueue_dma source(%arg6 : memref<256x64xf32, #tpu.memory_space<vmem>>) target(%dma_start3A_82 : memref<256x64xf32, #tpu.memory_space<hbm>>) target_semaphore(%run_scoped3A : memref<!tpu.dma_semaphore, #tpu.memory_space<semaphore_mem>>)
      %dma_wait3A_83 = tpu.memref_slice %arg4[%mul3A_78, %mul3A_80] : memref<1024x512xf32, #tpu.memory_space<hbm>> -> memref<256x64xf32, #tpu.memory_space<hbm>>
      %dma_wait3A_84 = tpu.memref_slice %arg4[%mul3A_78, %mul3A_80] : memref<1024x512xf32, #tpu.memory_space<hbm>> -> memref<256x64xf32, #tpu.memory_space<hbm>>
      tpu.wait_dma2 semaphore(%run_scoped3A : memref<!tpu.dma_semaphore, #tpu.memory_space<semaphore_mem>>) src(%arg6 : memref<256x64xf32, #tpu.memory_space<vmem>>) dst(%dma_wait3A_84 : memref<256x64xf32, #tpu.memory_space<hbm>>)
      tpu.yield
    }) : () -> ()
    return
  }
}

module attributes {stable_mosaic.version = 14 : i64} {
  func.func @_vq_tc_kernel(%arg0: i32, %arg1: memref<1024x128xf32, #tpu.memory_space<vmem>>, %arg2: memref<2x512x64xf32, #tpu.memory_space<vmem>>, %arg3: memref<1024x8xi32, #tpu.memory_space<vmem>>, %arg4: memref<1x2x1024xi32, #tpu.memory_space<vmem>>, %arg5: memref<1x512xf32, #tpu.memory_space<vmem>>, %arg6: memref<1x128xf32, #tpu.memory_space<vmem>>, %arg7: memref<1xf32, #tpu.memory_space<smem>>) attributes {dimension_semantics = [#tpu.dimension_semantics<arbitrary>], iteration_bounds = array<i64: 4>, scalar_prefetch = 0 : i64, scratch_operands = 1 : i64, tpu.core_type = #tpu.core_type<tc>, window_params = [{transform_indices = @transform_0, window_bounds = array<i64: 1024, 128>}, {transform_indices = @transform_1, window_bounds = array<i64: 2, 512, 64>}, {pipeline_mode = #tpu.pipeline_mode<synchronous>, transform_indices = @transform_2, window_bounds = array<i64: 1024, 8>}, {transform_indices = @transform_3, window_bounds = array<i64: 1, 2, 1024>}, {pipeline_mode = #tpu.pipeline_mode<synchronous>, transform_indices = @transform_4, window_bounds = array<i64: 1, 512>}, {pipeline_mode = #tpu.pipeline_mode<synchronous>, transform_indices = @transform_5, window_bounds = array<i64: 1, 128>}]} {
    %get3A = arith.constant 0 : index
    %get3A_0 = arith.constant 0 : index
    %get3A_1 = vector.load %arg1[%get3A, %get3A_0] : memref<1024x128xf32, #tpu.memory_space<vmem>>, vector<1024x128xf32>
    %eq3A = arith.constant 0 : i32
    %eq3A_2 = arith.cmpi eq, %arg0, %eq3A : i32
    %convert_element_type3A = arith.extui %eq3A_2 : i1 to i32
    %cond3A = arith.constant 0 : i32
    %cond3A_3 = arith.cmpi ne, %convert_element_type3A, %cond3A : i32
    scf.if %cond3A_3 {
      %broadcast_in_dim3A_157 = arith.constant 0.000000e+00 : f32
      %broadcast_in_dim3A_158 = vector.broadcast %broadcast_in_dim3A_157 : f32 to vector<1x512xf32>
      %swap3A_159 = arith.constant 0 : index
      %swap3A_160 = arith.constant 0 : index
      %swap3A_161 = vector.load %arg5[%swap3A_159, %swap3A_160] : memref<1x512xf32, #tpu.memory_space<vmem>>, vector<1x512xf32>
      tpu.vector_store %arg5[%swap3A_159, %swap3A_160], %broadcast_in_dim3A_158 {strides = array<i32>} : memref<1x512xf32, #tpu.memory_space<vmem>>, vector<1x512xf32>,
      %swap3A_162 = arith.constant 0.000000e+00 : f32
      %swap3A_163 = arith.constant 0 : index
      %swap3A_164 = memref.load %arg7[%swap3A_163] : memref<1xf32, #tpu.memory_space<smem>>
      memref.store %swap3A_162, %arg7[%swap3A_163] : memref<1xf32, #tpu.memory_space<smem>>
    } else {
    }
    %iota3A = tpu.iota {dimensions = array<i32: 1>} : vector<1024x512xi32>
    %convert_element_type3A_4 = arith.sitofp %iota3A : vector<1024x512xi32> to vector<1024x512xf32>
    %iota3A_5 = tpu.iota {dimensions = array<i32: 1>} : vector<1024x8xi32>
    %mul3A = arith.mulf %get3A_1, %get3A_1 : vector<1024x128xf32>
    %reduce_sum3A = vector.shape_cast %mul3A : vector<1024x128xf32> to vector<1x1024x128xf32>
    %reduce_sum3A_6 = arith.constant dense<0.000000e+00> : vector<1xf32>
    %reduce_sum3A_7 = vector.multi_reduction <add>, %reduce_sum3A, %reduce_sum3A_6 [1, 2] : vector<1x1024x128xf32> to vector<1xf32>
    %reduce_sum3A_8 = vector.shape_cast %reduce_sum3A_7 : vector<1xf32> to vector<1x1x1xf32>
    %reduce_sum3A_9 = vector.extract %reduce_sum3A_8[0, 0, 0] : f32 from vector<1x1x1xf32>
    %slice3A = vector.extract_strided_slice %get3A_1 {offsets = [0, 0], sizes = [1024, 64], strides = [1, 1]} : vector<1024x128xf32> to vector<1024x64xf32>
    %get3A_10 = arith.constant 0 : index
    %get3A_11 = arith.constant 0 : index
    %get3A_12 = arith.constant 0 : index
    %get3A_13 = vector.load %arg2[%get3A_10, %get3A_11, %get3A_12] : memref<2x512x64xf32, #tpu.memory_space<vmem>>, vector<1x512x64xf32>
    %get3A_14 = vector.shape_cast %get3A_13 : vector<1x512x64xf32> to vector<512x64xf32>
    %mul3A_15 = arith.mulf %get3A_14, %get3A_14 : vector<512x64xf32>
    %reduce_sum3A_16 = arith.constant dense<0.000000e+00> : vector<512xf32>
    %reduce_sum3A_17 = vector.multi_reduction <add>, %mul3A_15, %reduce_sum3A_16 [1] : vector<512x64xf32> to vector<512xf32>
    %broadcast_in_dim3A = vector.shape_cast %reduce_sum3A_17 : vector<512xf32> to vector<512x1xf32>
    %dot_general3A = arith.constant dense<0.000000e+00> : vector<1024x512xf32>
    %dot_general3A_18 = tpu.matmul %slice3A, %get3A_14, %dot_general3A {dimension_numbers = #tpu.dot_dimension_numbers<[1], [1], [0], [0], [0, 0, 1, 0], [], []>, transpose_lhs_hint = false} : vector<1024x64xf32>, vector<512x64xf32>, vector<1024x512xf32> -> vector<1024x512xf32>
    %transpose3A = tpu.transpose %broadcast_in_dim3A, [1, 0] : vector<512x1xf32> -> vector<1x512xf32>
    %mul3A_19 = arith.constant 2.000000e+00 : f32
    %mul3A_20 = vector.broadcast %mul3A_19 : f32 to vector<1024x512xf32>
    %mul3A_21 = arith.mulf %mul3A_20, %dot_general3A_18 : vector<1024x512xf32>
    %sub3A = vector.broadcast %transpose3A : vector<1x512xf32> to vector<1024x512xf32>
    %sub3A_22 = arith.subf %sub3A, %mul3A_21 : vector<1024x512xf32>
    %reduce_min3A = arith.constant dense<0x7F800000> : vector<1024xf32>
    %reduce_min3A_23 = vector.multi_reduction <minimumf>, %sub3A_22, %reduce_min3A [1] : vector<1024x512xf32> to vector<1024xf32>
    %broadcast_in_dim3A_24 = vector.shape_cast %reduce_min3A_23 : vector<1024xf32> to vector<1024x1xf32>
    %le3A = vector.broadcast %broadcast_in_dim3A_24 : vector<1024x1xf32> to vector<1024x512xf32>
    %le3A_25 = arith.cmpf ole, %sub3A_22, %le3A : vector<1024x512xf32>
    %jit3A = arith.constant 5.120000e+02 : f32
    %broadcast_in_dim3A_26 = vector.broadcast %jit3A : f32 to vector<1024x512xf32>
    %select_n3A = arith.select %le3A_25, %convert_element_type3A_4, %broadcast_in_dim3A_26 : vector<1024x512xi1>, vector<1024x512xf32>
    %reduce_min3A_27 = arith.constant dense<0x7F800000> : vector<1024xf32>
    %reduce_min3A_28 = vector.multi_reduction <minimumf>, %select_n3A, %reduce_min3A_27 [1] : vector<1024x512xf32> to vector<1024xf32>
    %broadcast_in_dim3A_29 = vector.shape_cast %reduce_min3A_28 : vector<1024xf32> to vector<1024x1xf32>
    %eq3A_30 = vector.broadcast %broadcast_in_dim3A_29 : vector<1024x1xf32> to vector<1024x512xf32>
    %eq3A_31 = arith.cmpf oeq, %convert_element_type3A_4, %eq3A_30 : vector<1024x512xf32>
    %convert_element_type3A_32 = arith.extui %eq3A_31 : vector<1024x512xi1> to vector<1024x512xi32>
    %convert_element_type3A_33 = arith.sitofp %convert_element_type3A_32 : vector<1024x512xi32> to vector<1024x512xf32>
    %reduce_sum3A_34 = arith.constant dense<0.000000e+00> : vector<512xf32>
    %reduce_sum3A_35 = vector.multi_reduction <add>, %convert_element_type3A_33, %reduce_sum3A_34 [0] : vector<1024x512xf32> to vector<512xf32>
    %broadcast_in_dim3A_36 = vector.shape_cast %reduce_sum3A_35 : vector<512xf32> to vector<1x512xf32>
    %reduce_sum3A_37 = vector.shape_cast %broadcast_in_dim3A_24 : vector<1024x1xf32> to vector<1x1024x1xf32>
    %reduce_sum3A_38 = arith.constant dense<0.000000e+00> : vector<1xf32>
    %reduce_sum3A_39 = vector.multi_reduction <add>, %reduce_sum3A_37, %reduce_sum3A_38 [1, 2] : vector<1x1024x1xf32> to vector<1xf32>
    %reduce_sum3A_40 = vector.shape_cast %reduce_sum3A_39 : vector<1xf32> to vector<1x1x1xf32>
    %reduce_sum3A_41 = vector.extract %reduce_sum3A_40[0, 0, 0] : f32 from vector<1x1x1xf32>
    %add3A = arith.addf %reduce_sum3A_9, %reduce_sum3A_41 : f32
    %convert_element_type3A_42 = arith.fptosi %broadcast_in_dim3A_29 : vector<1024x1xf32> to vector<1024x1xi32>
    %mul3A_43 = arith.constant 2 : i32
    %mul3A_44 = arith.muli %mul3A_43, %arg0 : i32
    %add3A_45 = arith.constant 0 : i32
    %add3A_46 = arith.addi %mul3A_44, %add3A_45 : i32
    %eq3A_47 = vector.broadcast %add3A_46 : i32 to vector<1024x8xi32>
    %eq3A_48 = arith.cmpi eq, %iota3A_5, %eq3A_47 : vector<1024x8xi32>
    %get3A_49 = arith.constant 0 : index
    %get3A_50 = arith.constant 0 : index
    %get3A_51 = vector.load %arg3[%get3A_49, %get3A_50] : memref<1024x8xi32, #tpu.memory_space<vmem>>, vector<1024x8xi32>
    %broadcast_in_dim3A_52 = vector.shape_cast %convert_element_type3A_42 : vector<1024x1xi32> to vector<1024x1xi32>
    %broadcast_in_dim3A_53 = vector.broadcast %broadcast_in_dim3A_52 : vector<1024x1xi32> to vector<1024x8xi32>
    %select_n3A_54 = arith.select %eq3A_48, %broadcast_in_dim3A_53, %get3A_51 : vector<1024x8xi1>, vector<1024x8xi32>
    %swap3A = arith.constant 0 : index
    %swap3A_55 = arith.constant 0 : index
    %swap3A_56 = vector.load %arg3[%swap3A, %swap3A_55] : memref<1024x8xi32, #tpu.memory_space<vmem>>, vector<1024x8xi32>
    tpu.vector_store %arg3[%swap3A, %swap3A_55], %select_n3A_54 {strides = array<i32>} : memref<1024x8xi32, #tpu.memory_space<vmem>>, vector<1024x8xi32>,
    %mul3A_57 = arith.constant 2 : i32
    %mul3A_58 = arith.muli %mul3A_57, %arg0 : i32
    %add3A_59 = arith.constant 0 : i32
    %add3A_60 = arith.addi %mul3A_58, %add3A_59 : i32
    %mul3A_61 = arith.constant 512 : i32
    %mul3A_62 = arith.muli %add3A_60, %mul3A_61 : i32
    %add3A_63 = vector.broadcast %mul3A_62 : i32 to vector<1024x1xi32>
    %add3A_64 = arith.addi %convert_element_type3A_42, %add3A_63 : vector<1024x1xi32>
    %transpose3A_65 = tpu.transpose %add3A_64, [1, 0] : vector<1024x1xi32> -> vector<1x1024xi32>
    %slice3A_66 = vector.extract_strided_slice %get3A_1 {offsets = [0, 64], sizes = [1024, 64], strides = [1, 1]} : vector<1024x128xf32> to vector<1024x64xf32>
    %get3A_67 = arith.constant 1 : index
    %get3A_68 = arith.constant 0 : index
    %get3A_69 = arith.constant 0 : index
    %get3A_70 = vector.load %arg2[%get3A_67, %get3A_68, %get3A_69] : memref<2x512x64xf32, #tpu.memory_space<vmem>>, vector<1x512x64xf32>
    %get3A_71 = vector.shape_cast %get3A_70 : vector<1x512x64xf32> to vector<512x64xf32>
    %mul3A_72 = arith.mulf %get3A_71, %get3A_71 : vector<512x64xf32>
    %reduce_sum3A_73 = arith.constant dense<0.000000e+00> : vector<512xf32>
    %reduce_sum3A_74 = vector.multi_reduction <add>, %mul3A_72, %reduce_sum3A_73 [1] : vector<512x64xf32> to vector<512xf32>
    %broadcast_in_dim3A_75 = vector.shape_cast %reduce_sum3A_74 : vector<512xf32> to vector<512x1xf32>
    %dot_general3A_76 = arith.constant dense<0.000000e+00> : vector<1024x512xf32>
    %dot_general3A_77 = tpu.matmul %slice3A_66, %get3A_71, %dot_general3A_76 {dimension_numbers = #tpu.dot_dimension_numbers<[1], [1], [0], [0], [0, 0, 1, 0], [], []>, transpose_lhs_hint = false} : vector<1024x64xf32>, vector<512x64xf32>, vector<1024x512xf32> -> vector<1024x512xf32>
    %transpose3A_78 = tpu.transpose %broadcast_in_dim3A_75, [1, 0] : vector<512x1xf32> -> vector<1x512xf32>
    %mul3A_79 = arith.constant 2.000000e+00 : f32
    %mul3A_80 = vector.broadcast %mul3A_79 : f32 to vector<1024x512xf32>
    %mul3A_81 = arith.mulf %mul3A_80, %dot_general3A_77 : vector<1024x512xf32>
    %sub3A_82 = vector.broadcast %transpose3A_78 : vector<1x512xf32> to vector<1024x512xf32>
    %sub3A_83 = arith.subf %sub3A_82, %mul3A_81 : vector<1024x512xf32>
    %reduce_min3A_84 = arith.constant dense<0x7F800000> : vector<1024xf32>
    %reduce_min3A_85 = vector.multi_reduction <minimumf>, %sub3A_83, %reduce_min3A_84 [1] : vector<1024x512xf32> to vector<1024xf32>
    %broadcast_in_dim3A_86 = vector.shape_cast %reduce_min3A_85 : vector<1024xf32> to vector<1024x1xf32>
    %le3A_87 = vector.broadcast %broadcast_in_dim3A_86 : vector<1024x1xf32> to vector<1024x512xf32>
    %le3A_88 = arith.cmpf ole, %sub3A_83, %le3A_87 : vector<1024x512xf32>
    %jit3A_89 = arith.constant 5.120000e+02 : f32
    %broadcast_in_dim3A_90 = vector.broadcast %jit3A_89 : f32 to vector<1024x512xf32>
    %select_n3A_91 = arith.select %le3A_88, %convert_element_type3A_4, %broadcast_in_dim3A_90 : vector<1024x512xi1>, vector<1024x512xf32>
    %reduce_min3A_92 = arith.constant dense<0x7F800000> : vector<1024xf32>
    %reduce_min3A_93 = vector.multi_reduction <minimumf>, %select_n3A_91, %reduce_min3A_92 [1] : vector<1024x512xf32> to vector<1024xf32>
    %broadcast_in_dim3A_94 = vector.shape_cast %reduce_min3A_93 : vector<1024xf32> to vector<1024x1xf32>
    %eq3A_95 = vector.broadcast %broadcast_in_dim3A_94 : vector<1024x1xf32> to vector<1024x512xf32>
    %eq3A_96 = arith.cmpf oeq, %convert_element_type3A_4, %eq3A_95 : vector<1024x512xf32>
    %convert_element_type3A_97 = arith.extui %eq3A_96 : vector<1024x512xi1> to vector<1024x512xi32>
    %convert_element_type3A_98 = arith.sitofp %convert_element_type3A_97 : vector<1024x512xi32> to vector<1024x512xf32>
    %reduce_sum3A_99 = arith.constant dense<0.000000e+00> : vector<512xf32>
    %reduce_sum3A_100 = vector.multi_reduction <add>, %convert_element_type3A_98, %reduce_sum3A_99 [0] : vector<1024x512xf32> to vector<512xf32>
    %broadcast_in_dim3A_101 = vector.shape_cast %reduce_sum3A_100 : vector<512xf32> to vector<1x512xf32>
    %add3A_102 = arith.addf %broadcast_in_dim3A_36, %broadcast_in_dim3A_101 : vector<1x512xf32>
    %reduce_sum3A_103 = vector.shape_cast %broadcast_in_dim3A_86 : vector<1024x1xf32> to vector<1x1024x1xf32>
    %reduce_sum3A_104 = arith.constant dense<0.000000e+00> : vector<1xf32>
    %reduce_sum3A_105 = vector.multi_reduction <add>, %reduce_sum3A_103, %reduce_sum3A_104 [1, 2] : vector<1x1024x1xf32> to vector<1xf32>
    %reduce_sum3A_106 = vector.shape_cast %reduce_sum3A_105 : vector<1xf32> to vector<1x1x1xf32>
    %reduce_sum3A_107 = vector.extract %reduce_sum3A_106[0, 0, 0] : f32 from vector<1x1x1xf32>
    %add3A_108 = arith.addf %add3A, %reduce_sum3A_107 : f32
    %convert_element_type3A_109 = arith.fptosi %broadcast_in_dim3A_94 : vector<1024x1xf32> to vector<1024x1xi32>
    %mul3A_110 = arith.constant 2 : i32
    %mul3A_111 = arith.muli %mul3A_110, %arg0 : i32
    %add3A_112 = arith.constant 1 : i32
    %add3A_113 = arith.addi %mul3A_111, %add3A_112 : i32
    %eq3A_114 = vector.broadcast %add3A_113 : i32 to vector<1024x8xi32>
    %eq3A_115 = arith.cmpi eq, %iota3A_5, %eq3A_114 : vector<1024x8xi32>
    %get3A_116 = arith.constant 0 : index
    %get3A_117 = arith.constant 0 : index
    %get3A_118 = vector.load %arg3[%get3A_116, %get3A_117] : memref<1024x8xi32, #tpu.memory_space<vmem>>, vector<1024x8xi32>
    %broadcast_in_dim3A_119 = vector.shape_cast %convert_element_type3A_109 : vector<1024x1xi32> to vector<1024x1xi32>
    %broadcast_in_dim3A_120 = vector.broadcast %broadcast_in_dim3A_119 : vector<1024x1xi32> to vector<1024x8xi32>
    %select_n3A_121 = arith.select %eq3A_115, %broadcast_in_dim3A_120, %get3A_118 : vector<1024x8xi1>, vector<1024x8xi32>
    %swap3A_122 = arith.constant 0 : index
    %swap3A_123 = arith.constant 0 : index
    %swap3A_124 = vector.load %arg3[%swap3A_122, %swap3A_123] : memref<1024x8xi32, #tpu.memory_space<vmem>>, vector<1024x8xi32>
    tpu.vector_store %arg3[%swap3A_122, %swap3A_123], %select_n3A_121 {strides = array<i32>} : memref<1024x8xi32, #tpu.memory_space<vmem>>, vector<1024x8xi32>,
    %mul3A_125 = arith.constant 2 : i32
    %mul3A_126 = arith.muli %mul3A_125, %arg0 : i32
    %add3A_127 = arith.constant 1 : i32
    %add3A_128 = arith.addi %mul3A_126, %add3A_127 : i32
    %mul3A_129 = arith.constant 512 : i32
    %mul3A_130 = arith.muli %add3A_128, %mul3A_129 : i32
    %add3A_131 = vector.broadcast %mul3A_130 : i32 to vector<1024x1xi32>
    %add3A_132 = arith.addi %convert_element_type3A_109, %add3A_131 : vector<1024x1xi32>
    %transpose3A_133 = tpu.transpose %add3A_132, [1, 0] : vector<1024x1xi32> -> vector<1x1024xi32>
    %concatenate3A = tpu.concatenate %transpose3A_65, %transpose3A_133 in 0 : vector<1x1024xi32>, vector<1x1024xi32> -> vector<2x1024xi32>
    %swap3A_134 = arith.constant 0 : index
    %swap3A_135 = arith.constant 0 : index
    %swap3A_136 = arith.constant 0 : index
    %swap3A_137 = vector.load %arg4[%swap3A_134, %swap3A_135, %swap3A_136] : memref<1x2x1024xi32, #tpu.memory_space<vmem>>, vector<1x2x1024xi32>
    %swap3A_138 = vector.shape_cast %swap3A_137 : vector<1x2x1024xi32> to vector<2x1024xi32>
    %swap3A_139 = vector.shape_cast %concatenate3A : vector<2x1024xi32> to vector<1x2x1024xi32>
    tpu.vector_store %arg4[%swap3A_134, %swap3A_135, %swap3A_136], %swap3A_139 {strides = array<i32>} : memref<1x2x1024xi32, #tpu.memory_space<vmem>>, vector<1x2x1024xi32>,
    %get3A_140 = arith.constant 0 : index
    %get3A_141 = arith.constant 0 : index
    %get3A_142 = vector.load %arg5[%get3A_140, %get3A_141] : memref<1x512xf32, #tpu.memory_space<vmem>>, vector<1x512xf32>
    %add3A_143 = arith.addf %get3A_142, %add3A_102 : vector<1x512xf32>
    %swap3A_144 = arith.constant 0 : index
    %swap3A_145 = arith.constant 0 : index
    %swap3A_146 = vector.load %arg5[%swap3A_144, %swap3A_145] : memref<1x512xf32, #tpu.memory_space<vmem>>, vector<1x512xf32>
    tpu.vector_store %arg5[%swap3A_144, %swap3A_145], %add3A_143 {strides = array<i32>} : memref<1x512xf32, #tpu.memory_space<vmem>>, vector<1x512xf32>,
    %get3A_147 = arith.constant 0 : index
    %get3A_148 = memref.load %arg7[%get3A_147] : memref<1xf32, #tpu.memory_space<smem>>
    %add3A_149 = arith.addf %get3A_148, %add3A_108 : f32
    %swap3A_150 = arith.constant 0 : index
    %swap3A_151 = memref.load %arg7[%swap3A_150] : memref<1xf32, #tpu.memory_space<smem>>
    memref.store %add3A_149, %arg7[%swap3A_150] : memref<1xf32, #tpu.memory_space<smem>>
    %eq3A_152 = arith.constant 3 : i32
    %eq3A_153 = arith.cmpi eq, %arg0, %eq3A_152 : i32
    %convert_element_type3A_154 = arith.extui %eq3A_153 : i1 to i32
    %cond3A_155 = arith.constant 0 : i32
    %cond3A_156 = arith.cmpi ne, %convert_element_type3A_154, %cond3A_155 : i32
    scf.if %cond3A_156 {
      %get3A_157 = arith.constant 0 : index
      %get3A_158 = arith.constant 0 : index
      %get3A_159 = vector.load %arg5[%get3A_157, %get3A_158] : memref<1x512xf32, #tpu.memory_space<vmem>>, vector<1x512xf32>
      %div3A = arith.constant 8.192000e+03 : f32
      %div3A_160 = vector.broadcast %div3A : f32 to vector<1x512xf32>
      %div3A_161 = arith.divf %get3A_159, %div3A_160 : vector<1x512xf32>
      %add3A_162 = arith.constant 1.000000e-10 : f32
      %add3A_163 = vector.broadcast %add3A_162 : f32 to vector<1x512xf32>
      %add3A_164 = arith.addf %div3A_161, %add3A_163 : vector<1x512xf32>
      %log3A = math.log %add3A_164 : vector<1x512xf32>
      %mul3A_165 = arith.mulf %div3A_161, %log3A : vector<1x512xf32>
      %reduce_sum3A_166 = vector.shape_cast %mul3A_165 : vector<1x512xf32> to vector<1x1x512xf32>
      %reduce_sum3A_167 = arith.constant dense<0.000000e+00> : vector<1xf32>
      %reduce_sum3A_168 = vector.multi_reduction <add>, %reduce_sum3A_166, %reduce_sum3A_167 [1, 2] : vector<1x1x512xf32> to vector<1xf32>
      %reduce_sum3A_169 = vector.shape_cast %reduce_sum3A_168 : vector<1xf32> to vector<1x1x1xf32>
      %reduce_sum3A_170 = vector.extract %reduce_sum3A_169[0, 0, 0] : f32 from vector<1x1x1xf32>
      %neg3A = arith.constant 0.000000e+00 : f32
      %neg3A_171 = arith.subf %neg3A, %reduce_sum3A_170 : f32
      %get3A_172 = arith.constant 0 : index
      %get3A_173 = memref.load %arg7[%get3A_172] : memref<1xf32, #tpu.memory_space<smem>>
      %div3A_174 = arith.constant 5.242880e+05 : f32
      %div3A_175 = arith.divf %get3A_173, %div3A_174 : f32
      %iota3A_176 = tpu.iota {dimensions = array<i32: 1>} : vector<1x128xi32>
      %eq3A_177 = arith.constant 0 : i32
      %eq3A_178 = vector.broadcast %eq3A_177 : i32 to vector<1x128xi32>
      %eq3A_179 = arith.cmpi eq, %iota3A_176, %eq3A_178 : vector<1x128xi32>
      %eq3A_180 = arith.constant 1 : i32
      %eq3A_181 = vector.broadcast %eq3A_180 : i32 to vector<1x128xi32>
      %eq3A_182 = arith.cmpi eq, %iota3A_176, %eq3A_181 : vector<1x128xi32>
      %exp3A = math.exp %neg3A_171 : f32
      %broadcast_in_dim3A_183 = vector.broadcast %neg3A_171 : f32 to vector<1x128xf32>
      %broadcast_in_dim3A_184 = vector.broadcast %exp3A : f32 to vector<1x128xf32>
      %select_n3A_185 = arith.select %eq3A_182, %broadcast_in_dim3A_183, %broadcast_in_dim3A_184 : vector<1x128xi1>, vector<1x128xf32>
      %broadcast_in_dim3A_186 = vector.broadcast %div3A_175 : f32 to vector<1x128xf32>
      %select_n3A_187 = arith.select %eq3A_179, %broadcast_in_dim3A_186, %select_n3A_185 : vector<1x128xi1>, vector<1x128xf32>
      %swap3A_188 = arith.constant 0 : index
      %swap3A_189 = arith.constant 0 : index
      %swap3A_190 = vector.load %arg6[%swap3A_188, %swap3A_189] : memref<1x128xf32, #tpu.memory_space<vmem>>, vector<1x128xf32>
      tpu.vector_store %arg6[%swap3A_188, %swap3A_189], %select_n3A_187 {strides = array<i32>} : memref<1x128xf32, #tpu.memory_space<vmem>>, vector<1x128xf32>,
    } else {
    }
    return
  }
  func.func @transform_0(%arg0: i32) -> (i32, i32) {
    %c0_i32 = arith.constant 0 : i32
    %c0_i32_0 = arith.constant 0 : i32
    return %c0_i32, %arg0 : i32, i32
  }
  func.func @transform_1(%arg0: i32) -> (i32, i32, i32) {
    %c0_i32 = arith.constant 0 : i32
    %c0_i32_0 = arith.constant 0 : i32
    %c0_i32_1 = arith.constant 0 : i32
    return %arg0, %c0_i32, %c0_i32_0 : i32, i32, i32
  }
  func.func @transform_2(%arg0: i32) -> (i32, i32) {
    %c0_i32 = arith.constant 0 : i32
    %c0_i32_0 = arith.constant 0 : i32
    %c0_i32_1 = arith.constant 0 : i32
    return %c0_i32, %c0_i32_0 : i32, i32
  }
  func.func @transform_3(%arg0: i32) -> (i32, i32, i32) {
    %c0_i32 = arith.constant 0 : i32
    %c0_i32_0 = arith.constant 0 : i32
    %c0_i32_1 = arith.constant 0 : i32
    return %arg0, %c0_i32, %c0_i32_0 : i32, i32, i32
  }
  func.func @transform_4(%arg0: i32) -> (i32, i32) {
    %c0_i32 = arith.constant 0 : i32
    %c0_i32_0 = arith.constant 0 : i32
    %c0_i32_1 = arith.constant 0 : i32
    return %c0_i32, %c0_i32_0 : i32, i32
  }
  func.func @transform_5(%arg0: i32) -> (i32, i32) {
    %c0_i32 = arith.constant 0 : i32
    %c0_i32_0 = arith.constant 0 : i32
    %c0_i32_1 = arith.constant 0 : i32
    return %c0_i32, %c0_i32_0 : i32, i32
  }
}

</mosaic_0001>

<sc_bundles>
// kernel: kernel.4.cloned.1.call-start
scs
__scs_entry_jumppad:
0x0: {  	(pc) =	sbr.rel $0x88, $3  }
0x1: {  	(tag) =	ssettag $0x0;
	lr =	simm.s32 $0x1  }
0x2: {  	[smem:$0x3F9F] =	sst lr;
	_ =	strace $0xD0000000  }
0x3: {  	_ = 	snop  }
0x4: {  	_ = 	snop  }
0x5: {  	_ = 	snop  }
0x6: {  	_ = 	snop  }
0x7: {  	_ = 	snop  }
__scs_overlays_trampoline_lowered:
0x8: {  	[smem:$0x3FAE] =	sst s0  }
0x9: {  	[smem:$0x3FAF] =	sst s1  }
0xa: {  	[smem:$0x3FB0] =	sst s2  }
0xb: {  	[smem:$0x3FB1] =	sst s3  }
0xc: {  	[smem:$0x3FB2] =	sst s4  }
0xd: {  	[smem:$0x3FB3] =	sst s5  }
0xe: {  	[smem:$0x3FB4] =	sst s6  }
0xf: {  	[smem:$0x3FB5] =	sst s7  }
0x10: {  	[smem:$0x3FB6] =	sst s8  }
0x11: {  	[smem:$0x3FB7] =	sst s9;
	s0 =	simm.s32 @!p0 $0x0  }
0x12: {  	s1 =	sld [smem:$0x3F9D];
	s0 =	simm.s32 @p0 $0x1  }
0x13: {  	[smem:$0x3FB8] =	sst s0;
	s0 =	simm.s32 @!p1 $0x0  }
0x14: {  	s2 =	sld [smem:$0x3F9C];
	s0 =	simm.s32 @p1 $0x1  }
0x15: {  	[smem:$0x3FB9] =	sst s0;
	s0 =	simm.s32 @!p2 $0x0  }
0x16: {  	s3 =	sld [smem:$0x3FDB];
	s0 =	simm.s32 @p2 $0x1  }
0x17: {  	s4 =	simm.s32 $0x1BF5;
	[smem:$0x3FBB] =	sst s0  }
0x18: {  	s0 =	sld [smem:$0x3F9E];
	_ =	swait.ge [sflag:s4], $0x0  }
0x19: {  	s7 =	sld [smem:$0x3F9F]  }
0x1a: {  	s8 =	sadd.s32 $0xFFFFE003, lr  }
0x1b: {  	s9 =	sadd.s32 $0xFFFFFEF7, lr;
	s5 =	simm.s32 $0xFFFFFFFF;
	p2 =	slt.u32 s8, $0xFFFFF086  }
0x1c: {  	p1 =	slt.u32 s9, $0xF7A;
	s5 =	simm.s32 @!p2 $0x0  }
0x1d: {  	s5 =	simm.s32 @p1 $0x1;
	p0 =	seq.s32 s7, s2  }
0x1e: {  	s7 =	smul.u32 @!p0 $0xF7A, s2;
	p2 =	seq.s32 @!p0 s5, $0x0  }
0x1f: {  	s9 =	smul.u32 $0xF7A, s1;
	s8 =	simm.s32 @!p0 $0x1BF5;
	p2 =	por !p2, p0  }
0x20: {  	[sflag:s8] =	ssyncset.s32 @!p0 $0xFFFFF086;
	s6 =	sadd.s32 @!p0 s3, s7;
	s7 =	simm.s32 @!p0 $0x108  }
0x21: {  	s3 =	sadd.s32 s3, s9;
	s6 =	sadd.s32 @!p0 $0x88, s6;
	s7 =	simm.s32 @p2 $0x1082  }
0x22: {  	[simem:s7], [sflag:s8] =	dma.local @!p0 [hbm:s6], $0xF7A  }
0x23: {  	s9 =	sor.u32 $0xD0000000, s2;
	s6 =	simm.s32 $0x108;
	_ =	swait.ge @!p0 [sflag:s8], $0x0  }
0x24: {  	s3 =	sadd.s32 $0x88, s3;
	s6 =	simm.s32 @!p1 $0x1082;
	[sflag:s4] =	ssyncset.s32 $0xFFFFF086  }
0x25: {  	[simem:s6], [sflag:s4] =	dma.local [hbm:s3], $0xF7A  }
0x26: {  	[smem:$0x3F9F] =	sst s1;
	(tag) =	ssettag s2;
	_ =	strace s9  }
0x27: {  	s1 =	sld [smem:$0x3FAF]  }
0x28: {  	s2 =	sld [smem:$0x3FB0]  }
0x29: {  	s4 =	sld [smem:$0x3FB2]  }
0x2a: {  	p0 =	seq.s32 s5, $0x0;
	s5 =	sld [smem:$0x3FB3]  }
0x2b: {  	s6 =	sld [smem:$0x3FB4]  }
0x2c: {  	s7 =	sld [smem:$0x3FB5]  }
0x2d: {  	s3 =	simm.s32 $0x108;
	s8 =	sld [smem:$0x3FB6]  }
0x2e: {  	s3 =	simm.s32 @!p0 $0x1082;
	s9 =	sld [smem:$0x3FB7]  }
0x2f: {  	lr =	sadd.s32 s0, s3;
	s0 =	sld [smem:$0x3FAE]  }
0x30: {  	s3 =	sld [smem:$0x3FB1]  }
0x31: {  	[smem:$0x3FBA] =	sst s10  }
0x32: {  	s10 =	sld [smem:$0x3FB8];
	_ =	sdelay $0x3  }
0x33: {  	p0 =	seq.s32 s10, $0x1;
	s10 =	sld [smem:$0x3FBA];
	_ =	sdelay $0x3  }
0x34: {  	[smem:$0x3FBA] =	sst s10  }
0x35: {  	s10 =	sld [smem:$0x3FB9];
	_ =	sdelay $0x3  }
0x36: {  	p1 =	seq.s32 s10, $0x1;
	s10 =	sld [smem:$0x3FBA];
	_ =	sdelay $0x3  }
0x37: {  	[smem:$0x3FBA] =	sst s10  }
0x38: {  	s10 =	sld [smem:$0x3FBB]  }
0x39: {  	_ = 	snop;
	(pc) =	sbr.ind lr, $3  }
0x3a: {  	_ = 	snop  }
0x3b: {  	_ = 	snop  }
0x3c: {  	p2 =	seq.s32 s10, $0x1;
	s10 =	sld [smem:$0x3FBA]  }
0x3d: {  	_ =	shalt  }
0x3e: {  	_ =	shalt  }
0x3f: {  	_ =	shalt  }
0x40: {  	_ =	shalt  }
0x41: {  	_ =	shalt  }
0x42: {  	_ =	shalt  }
0x43: {  	_ =	shalt  }
0x44: {  	_ =	shalt  }
0x45: {  	_ =	shalt  }
0x46: {  	_ =	shalt  }
0x47: {  	_ =	shalt  }
0x48: {  	_ =	shalt  }
0x49: {  	_ =	shalt  }
0x4a: {  	_ =	shalt  }
0x4b: {  	_ =	shalt  }
0x4c: {  	_ =	shalt  }
0x4d: {  	_ =	shalt  }
0x4e: {  	_ =	shalt  }
0x4f: {  	_ =	shalt  }
0x50: {  	_ =	shalt  }
0x51: {  	_ =	shalt  }
0x52: {  	_ =	shalt  }
0x53: {  	_ =	shalt  }
0x54: {  	_ =	shalt  }
0x55: {  	_ =	shalt  }
0x56: {  	_ =	shalt  }
0x57: {  	_ =	shalt  }
0x58: {  	_ =	shalt  }
0x59: {  	_ =	shalt  }
0x5a: {  	_ =	shalt  }
0x5b: {  	_ =	shalt  }
0x5c: {  	_ =	shalt  }
0x5d: {  	_ =	shalt  }
0x5e: {  	_ =	shalt  }
0x5f: {  	_ =	shalt  }
0x60: {  	_ =	shalt  }
0x61: {  	_ =	shalt  }
0x62: {  	_ =	shalt  }
0x63: {  	_ =	shalt  }
0x64: {  	_ =	shalt  }
0x65: {  	_ =	shalt  }
0x66: {  	_ =	shalt  }
0x67: {  	_ =	shalt  }
0x68: {  	_ =	shalt  }
0x69: {  	_ =	shalt  }
0x6a: {  	_ =	shalt  }
0x6b: {  	_ =	shalt  }
0x6c: {  	_ =	shalt  }
0x6d: {  	_ =	shalt  }
0x6e: {  	_ =	shalt  }
0x6f: {  	_ =	shalt  }
0x70: {  	_ =	shalt  }
0x71: {  	_ =	shalt  }
0x72: {  	_ =	shalt  }
0x73: {  	_ =	shalt  }
0x74: {  	_ =	shalt  }
0x75: {  	_ =	shalt  }
0x76: {  	_ =	shalt  }
0x77: {  	_ =	shalt  }
0x78: {  	_ =	shalt  }
0x79: {  	_ =	shalt  }
0x7a: {  	_ =	shalt  }
0x7b: {  	_ =	shalt  }
0x7c: {  	_ =	shalt  }
0x7d: {  	_ =	shalt  }
0x7e: {  	_ =	shalt  }
0x7f: {  	_ =	shalt  }
0x80: {  	_ =	shalt  }
0x81: {  	_ =	shalt  }
0x82: {  	_ =	shalt  }
0x83: {  	_ =	shalt  }
0x84: {  	_ =	shalt  }
0x85: {  	_ =	shalt  }
0x86: {  	_ =	shalt  }
0x87: {  	_ =	shalt  }
.Lfunc_end0:
.L_simem_size_0:
called_computation_lowered:
.L_overlay_start_0:
0x88: {  	s2 =	sld [smem:$0x3FD9]  }
0x89: {  	s3 =	sld [smem:$0x3FFE];
	_ =	sdelay $0x1  }
0x8a: {  	s1 =	srdreg.scid  }
0x8b: {  	s0 =	sand.u32 $0x1, s1  }
0x8c: {  	s14 =	sshll.u32 s0, $0xA;
	s2 =	sadd.s32 s3, s2  }
0x8d: {  	s2 =	sadd.s32 s2, s14  }
0x8e: {  	[smem:$0x3FC6] =	sst s2  }
0x8f: {  	_ = 	snop  }
0x90: {  	s2 =	sld [smem:$0x3FD0];
	_ =	sdelay $0x2  }
0x91: {  	s15 =	simm.s32 $0xA;
	s4 =	simm.s32 $0x10  }
0x92: {  	[smem:s4], [sflag:s15] =	dma.local [hbm:s2], $0x1  }
0x93: {  	_ =	swait.eq [sflag:s15], $0x1  }
0x94: {  	[sflag:s15] =	ssyncset.done $0x0  }
0x95: {  	[sflag:s15] =	ssyncadd.s32 $0xFFFFFFFF  }
0x96: {  	s16 =	sld [smem:$0x10];
	(tm) =	ssettm $0x1  }
0x97: {  	s17 =	sld [smem:$0x3FFB];
	_ =	sdelay $0x3  }
0x98: {  	_ =	strace s17  }
0x99: {  	s3 =	sld [smem:$0x3FFC];
	_ =	sdelay $0x3  }
0x9a: {  	_ =	strace s3  }
0x9b: {  	s3 =	sld [smem:$0x3FFD];
	_ =	sdelay $0x3  }
0x9c: {  	_ =	strace s3  }
0x9d: {  	_ =	strace $0x8FFFFFFF  }
0x9e: {  	s18 =	sld [smem:$0x3FDB];
	_ =	sdelay $0x1  }
0x9f: {  	s19 =	simm.s32 $_scs_section_size  }
0xa0: {  	s5 =	simm.s32 $_size__tile_overlayer_lowered;
	s6 =	simm.s32 $_tile_overlayer_lowered  }
0xa1: {  	s22 =	simm.s32 $0x1BFF;
	s21 =	sshll.u32 s6, $0x1;
	s3 =	sadd.s32 s19, s18  }
0xa2: {  	s7 =	simm.s32 $0x0;
	s20 =	sshll.u32 s5, $0x1;
	s5 =	sadd.s32 s21, s3  }
0xa3: {  	[timem:s7], [sflag:s22] =	dma.local [hbm:s5], s20  }
0xa4: {  	_ =	swait.ge [sflag:s22], s20  }
0xa5: {  	s4 =	ssub.s32 $0x0, s20;
	[sflag:s22] =	ssyncset.done $0x0  }
0xa6: {  	[sflag:s22] =	ssyncadd.s32 s4;
	_ =	sdelay $0x1  }
0xa7: {  	s23 =	simm.s32 $0x1B8B  }
0xa8: {  	_ =	swait.ge [sflag:s23], $0x1  }
0xa9: {  	[sflag:s23] =	ssyncset.done $0x0  }
0xaa: {  	s25 =	simm.s32 $0x1B8E;
	s24 =	sld [smem:$0x3FFE];
	[sflag:s23] =	ssyncadd.s32 $0xFFFFFFFF  }
0xab: {  	s26 =	simm.s32 $execute0_lowered;
	[smem:$0x3FD2] =	sst s25  }
0xac: {  	s5 =	sshll.u32 s26, $0x1;
	_ =	strace $0x80000046;
	[dreg:$0x1] =	wrdreg $0xFFFFFFFF  }
0xad: {  	s28 =	simm.s32 $_size_execute0_lowered;
	s3 =	sadd.s32 s3, s5;
	[dreg:$0x0] =	wrdreg $0x0  }
0xae: {  	s5 =	sshll.u32 s28, $0x1;
	[dreg:$0x2] =	wrdreg s3  }
0xaf: {  	[dreg:$0x3] =	wrdreg s5  }
0xb0: {  	[dreg:$0x4] =	wrdreg $0xC0  }
0xb1: {  	_ =	task [dreg:s7], $0x5FFFF  }
0xb2: {  	[dreg:$0x1] =	wrdreg $0xFFFFFFFF  }
0xb3: {  	[dreg:$0x0] =	wrdreg $0x60  }
0xb4: {  	[dreg:$0x2] =	wrdreg s16  }
0xb5: {  	[dreg:$0x3] =	wrdreg s24  }
0xb6: {  	[dreg:$0x4] =	wrdreg $0x9  }
0xb7: {  	_ =	task.clear_ibuf [dreg:s7], $0x5FFFF;
	_ =	strace $0x90000046  }
0xb8: {  	s29 =	simm.s32 $0x9;
	_ =	strace $0x80000048  }
0xb9: {  	_ =	swait.ge [sflag:s29], $0x1  }
0xba: {  	[sflag:s29] =	ssyncadd.s32 $0xFFFFFFFF  }
0xbb: {  	_ =	strace $0x90000048  }
0xbc: {  	_ =	sfence  }
0xbd: {  	s30 =	sld [smem:$0x0];
	_ =	sdelay $0x2  }
0xbe: {  	s31 =	sshll.u32 s1, $0xD;
	s1 =	sshrl.u32 s1, $0x2  }
0xbf: {  	s3 =	sand.u32 $0x4000, s31;
	s1 =	sadd.s32 s1, s30  }
0xc0: {  	s0 =	sor.u32 s3, s0;
	s1 =	sshll.u32 s1, $0x11  }
0xc1: {  	s0 =	sor.u32 s1, s0  }
0xc2: {  	s0 =	sadd.s32 $0x8F2B, s0  }
0xc3: {  	[sflag:s0] =	ssyncadd.remote.s32 $0x1  }
0xc4: {  	_ =	sfence.sel $0xFFFF  }
0xc5: {  	[dreg:$0x0] =	wrdreg $0xFFFFFFFF;
	(pc) =	sbr.abs _section_cstart, $3  }
0xc6: {  	[dreg:$0x1] =	wrdreg $0xFFFFFFFF  }
0xc7: {  	_ =	task.clear_ibuf [dreg:s7], $0x2FFFF;
	_ =	strace $0x9FFFFFFF  }
0xc8: {  	(tm) =	ssettm $0x7FFFFFFF  }
0xc9: {  	_ =	shalt  }
tec
execute0_lowered:
.L_overlay_start_1:
0x0: {  	(tag) =	ssettag $0x1  }
0x1: {  	s0 =	stileid.u32;
	s2 =	rddreg [dreg:$0x0]  }
0x2: {  	s1 =	srdreg.scid;
	s6 =	rddreg [dreg:$0x1];
	s3 =	sshll.u32 s0, $0x1  }
0x3: {  	s7 =	sand.u32 $0x1, s1;
	s1 =	rddreg [dreg:$0x2];
	s3 =	sand.u32 $0x2, s3  }
0x4: {  	s5 =	sshll.u32 s0, $0x6;
	s9 =	sshll.u32 s0, $0x2;
	s8 =	sor.u32 s7, s3  }
0x5: {  	s5 =	sand.u32 $0x380, s5;
	s9 =	sand.u32 $0x38, s9;
	s4 =	sshll.u32 s8, $0x5  }
0x6: {  	s10 =	ssub.s32 $0x2, s7;
	s3 =	simm.s32 $0x0;
	s4 =	sadd.s32 s4, s6  }
0x7: {  	s9 =	sadd.s32 s9, s6;
	[smem:$0x7FF] =	sst s3;
	s4 =	sadd.s32 s5, s4  }
0x8: {  	_ =	strace $0x80000047;
	s5 =	sadd.s32 $0xA00, s4;
	s4 =	simm.s32 $0x2  }
0x9: {  	[tilespmem:s3], [sflag:$0x2] =	stream.linear.gather [hbm4b:s5+s3], $0x100, $0x38;
	[tilespmem:$0x4100] =	vst v63  }
0xa: {  	s11 =	sshrl.u32 s10, $0x1;
	s7 =	simm.s32 $0x1;
	_ =	swait.ge [sflag:s4], $0x100  }
0xb: {  	s8 =	sshll.u32 s8, $0xE;
	s10 =	ssub.s32 s10, s11;
	[sflag:s4] =	ssyncset.done $0x0  }
0xc: {  	s6 =	simm.s32 $0x100;
	s11 =	smax.u32 s10, $0x1;
	[sflag:s4] =	ssyncadd.s32 $0xFFFFFF00  }
0xd: {  	[tilespmem:s6], [sflag:$0x1] =	stream.indirect.gather [hbm4b:s2+s6], $0x40, s3, s6, $0xb8;
	[tilespmem:$0x4100] =	vst v63  }
0xe: {  	s8 =	sadd.s32 s8, s9;
	p0 =	sne.s32 s11, $0x1;
	_ =	swait.ge [sflag:s7], $0x4000  }
.Ltmp0:
0xf: {  	s9 =	simm.s32 $0x40;
	[sflag:s7] =	ssyncset.done $0x0;
	(pc) =	sbr.rel @!p0 .LBB2_2-.Ltmp0, $4  }
0x10: {  	s10 =	simm.s32 $0x200;
	s8 =	sadd.s32 $0xE00, s8;
	[sflag:s7] =	ssyncadd.s32 $0xFFFFC000  }
0x11: {  	[hbm4b:s8+s9] =	stream.strided.scatter [tilespmem:s6], [sflag:$0x2], $0x4000, s10, s9, $0x38;
	[tilespmem:$0x4100] =	vst v63  }
0x12: {  	_ =	swait.ge [sflag:s4], $0x4000  }
0x13: {  	s11 =	sadd.s32 $0xFFFFFFFF, s11;
	[sflag:s4] =	ssyncset.done $0x0  }
.LBB2_1:
0x14: {  	p0 =	sne.s32 s11, $0x1;
	s11 =	sadd.s32 $0xFFFFFFFF, s11;
	[sflag:s4] =	ssyncadd.s32 $0xFFFFC000  }
0x15: {  	[tilespmem:s3], [sflag:$0x2] =	stream.linear.gather [hbm4b:s5+s3], $0x100, $0x38;
	[tilespmem:$0x4100] =	vst v63  }
0x16: {  	_ =	swait.ge [sflag:s4], $0x100  }
0x17: {  	[sflag:s4] =	ssyncset.done $0x0  }
0x18: {  	[sflag:s4] =	ssyncadd.s32 $0xFFFFFF00  }
0x19: {  	[tilespmem:s6], [sflag:$0x1] =	stream.indirect.gather [hbm4b:s2+s6], $0x40, s3, s6, $0xb8;
	[tilespmem:$0x4100] =	vst v63  }
0x1a: {  	_ =	swait.ge [sflag:s7], $0x4000  }
.Ltmp1:
0x1b: {  	[sflag:s7] =	ssyncset.done $0x0;
	(pc) =	sbr.rel @p0 .LBB2_1-.Ltmp1, $4  }
0x1c: {  	[sflag:s7] =	ssyncadd.s32 $0xFFFFC000  }
0x1d: {  	[hbm4b:s8+s9] =	stream.strided.scatter [tilespmem:s6], [sflag:$0x2], $0x4000, s10, s9, $0x38;
	[tilespmem:$0x4100] =	vst v63  }
0x1e: {  	_ =	swait.ge [sflag:s4], $0x4000  }
0x1f: {  	[sflag:s4] =	ssyncset.done $0x0  }
.LBB2_2:
0x20: {  	[sflag:s4] =	ssyncadd.s32 $0xFFFFC000  }
0x21: {  	_ =	sfence.sel $0x180000  }
0x22: {  	[bflag:$0x0] =	sbarrier.arrive $0xFFFF  }
0x23: {  	p0 =	sne.s32 s0, $0x0;
	_ =	strace $0x90000047  }
0x24: {  	s0 =	sadd.s32 @!p0 $0x100000, s1;
	[bflag:$0x2] =	sbarrier.arrive $0xFFFF  }
0x25: {  	[sflag:s0] =	ssyncadd.tile.s32 @!p0 $0x1;
	_ =	shalt  }
.Lfunc_end2:
_tile_overlayer_lowered:
.L_overlay_start_2:
0x26: {  	(tag) =	ssettag $0x2  }
0x27: {  	s0 =	rddreg [dreg:$0x0];
	s2 =	stileid.u32  }
0x28: {  	s1 =	rddreg [dreg:$0x1];
	p0 =	sne.s32 s2, $0x0  }
0x29: {  	s3 =	rddreg [dreg:$0x2];
	[bflag:$0x3] =	sbarrier.arrive $0xFFFF;
	s2 =	simm.s32 @!p0 $0x1C02  }
0x2a: {  	[timem:s3], [sflag:s2] =	dma.local @!p0 [hbm:s0], s1  }
0x2b: {  	s0 =	simm.s32 @!p0 $0x2  }
0x2c: {  	_ =	swait.ge @!p0 [sflag:s0], s1  }
0x2d: {  	s1 =	ssub.s32 @!p0 $0x0, s1;
	[sflag:s0] =	ssyncset.done @!p0 $0x0  }
0x2e: {  	[sflag:s0] =	ssyncadd.s32 @!p0 s1  }
0x2f: {  	[bflag:$0x3] =	sbarrier.arrive $0xFFFF  }
0x30: {  	_ =	shalt  }

</sc_bundles>
